<compile_context>
chip_gen: v7x
topology: tpu7x:2x2x1
jax: 0.10.2.dev20260603
libtpu: 0.0.44.dev20260713+nightly
codegen_flags: <defaults>
</compile_context>

<pallas_src>
import jax
import jax.numpy as jnp
from jax import lax
from jax.experimental import pallas as pl
from jax.experimental.pallas import tpu as pltpu
from jax.experimental.pallas import tpu_sc as plsc

N_NODES = 10000
E_EDGES = 320000
FEAT = 128
NEG_SLOPE = 0.2

NC = 2
NS = 16
NTILES = NC * NS
CHUNK = E_EDGES // NTILES
WIN = 10240
LANES = 16
N_PAD = 10240
ROWS = N_PAD // FEAT



def _project_body(x_ref, w_ref, asr_ref, ads_ref, fcw_ref, out_ref):
    b = jnp.concatenate([asr_ref[...], ads_ref[...], fcw_ref[...]], axis=0)
    g = lax.dot_general(b, w_ref[...], (((1,), (1,)), ((), ())),
                        preferred_element_type=jnp.float32)
    p = lax.dot_general(g, x_ref[...], (((1,), (1,)), ((), ())),
                        preferred_element_type=jnp.float32)
    out_ref[...] = p.reshape(3, -1, FEAT)


def _project(x, W, asr, ads, fcw):
    grid = 5
    bn = N_PAD // grid
    return pl.pallas_call(
        _project_body,
        grid=(grid,),
        in_specs=[
            pl.BlockSpec((bn, FEAT), lambda i: (i, 0)),
            pl.BlockSpec((FEAT, FEAT), lambda i: (0, 0)),
            pl.BlockSpec((1, FEAT), lambda i: (0, 0)),
            pl.BlockSpec((1, FEAT), lambda i: (0, 0)),
            pl.BlockSpec((1, FEAT), lambda i: (0, 0)),
        ],
        out_specs=pl.BlockSpec((3, bn // FEAT, FEAT), lambda i: (0, i, 0)),
        out_shape=jax.ShapeDtypeStruct((3, ROWS, FEAT), jnp.float32),
    )(x, W, asr, ads, fcw)



def _edge_body(pt_hbm, ei_hbm, ew_hbm, parts_hbm,
               asrc_v, adst_v, z_v, sd_v, ews_v, accn_v, accd_v, sem):
    c = lax.axis_index("c")
    s = lax.axis_index("s")
    tid = s * NC + c
    base = tid * CHUNK
    abase = jnp.minimum((base // 128) * 128, E_EDGES - WIN)
    off = base - abase

    h1 = pltpu.async_copy(pt_hbm.at[0], asrc_v, sem)
    h2 = pltpu.async_copy(pt_hbm.at[1], adst_v, sem)
    h3 = pltpu.async_copy(pt_hbm.at[2], z_v, sem)
    h4 = pltpu.async_copy(ei_hbm.at[:, pl.ds(abase, WIN)], sd_v, sem)
    h5 = pltpu.async_copy(ew_hbm.at[pl.ds(base, CHUNK)], ews_v, sem)

    zeros = jnp.zeros((LANES,), jnp.float32)

    @plsc.parallel_loop(0, N_PAD, step=LANES, unroll=8)
    def _zero(i):
        r = lax.shift_right_logical(i, 7)
        col = jnp.bitwise_and(i, FEAT - 1)
        accn_v[r, pl.ds(col, LANES)] = zeros
        accd_v[r, pl.ds(col, LANES)] = zeros

    h1.wait()
    h2.wait()
    h3.wait()
    h4.wait()
    h5.wait()

    @plsc.parallel_loop(0, CHUNK, step=LANES, unroll=5)
    def _edges(i):
        sl = pl.ds(i, LANES)
        el = pl.ds(off + i, LANES)
        sidx = sd_v[0, el]
        didx = sd_v[1, el]
        ew = ews_v[sl]
        sr = lax.shift_right_logical(sidx, 7)
        sc_ = jnp.bitwise_and(sidx, FEAT - 1)
        dr = lax.shift_right_logical(didx, 7)
        dc = jnp.bitwise_and(didx, FEAT - 1)
        ga = plsc.load_gather(asrc_v, [sr, sc_])
        gb = plsc.load_gather(adst_v, [dr, dc])
        gz = plsc.load_gather(z_v, [sr, sc_])
        a = ga + gb
        a = jnp.where(a >= 0.0, a, a * NEG_SLOPE)
        ex = jnp.exp(a)
        plsc.addupdate_scatter(accd_v, [dr, dc], ex)
        plsc.addupdate_scatter(accn_v, [dr, dc], ex * ew * gz)

    pltpu.sync_copy(accn_v, parts_hbm.at[tid, 0])
    pltpu.sync_copy(accd_v, parts_hbm.at[tid, 1])


def _edge_phase(pt, ei, ew):
    fn = pl.kernel(
        _edge_body,
        out_type=jax.ShapeDtypeStruct((NTILES, 2, ROWS, FEAT), jnp.float32),
        mesh=plsc.VectorSubcoreMesh(core_axis_name="c", subcore_axis_name="s",
                                    num_cores=NC, num_subcores=NS),
        scratch_types=[
            pltpu.VMEM((ROWS, FEAT), jnp.float32),
            pltpu.VMEM((ROWS, FEAT), jnp.float32),
            pltpu.VMEM((ROWS, FEAT), jnp.float32),
            pltpu.VMEM((2, WIN), jnp.int32),
            pltpu.VMEM((CHUNK,), jnp.float32),
            pltpu.VMEM((ROWS, FEAT), jnp.float32),
            pltpu.VMEM((ROWS, FEAT), jnp.float32),
            pltpu.SemaphoreType.DMA,
        ],
        compiler_params=pltpu.CompilerParams(needs_layout_passes=False),
    )
    return fn(pt, ei, ew)



def _finish_body(parts_ref, bias_ref, fcw_ref, fcb_ref, out_ref):
    num = jnp.sum(parts_ref[:, 0, :, :], axis=0)
    den = jnp.sum(parts_ref[:, 1, :, :], axis=0)
    const = jnp.sum(bias_ref[...] * fcw_ref[...]) + fcb_ref[0, 0]
    out_ref[...] = num / (den + 1e-16) + const


def _finish(parts, bias, fcw, fc_b):
    return pl.pallas_call(
        _finish_body,
        out_shape=jax.ShapeDtypeStruct((ROWS, FEAT), jnp.float32),
    )(parts, bias.reshape(1, FEAT), fcw, fc_b.reshape(1, 1))



@jax.jit
def kernel(x, edge_index, edge_weight, W, att_src, att_dst, bias, fc_W, fc_b):
    fcw = fc_W.reshape(1, FEAT)
    pt = _project(x, W, att_src, att_dst, fcw)
    parts = _edge_phase(pt, edge_index, edge_weight)
    out = _finish(parts, bias, fcw, fc_b)
    return out.reshape(-1)[:N_NODES].reshape(N_NODES, 1)

# --- scband reference (transcript-rebuilt; emitter-appended) ---
"""Pipeline reference for scband-guide-90374701843042 (READ-ONLY COPY).

The authoritative reference and input builder live on the scoring server;
editing this copy changes nothing except your own understanding.
"""

import jax, jax.numpy as jnp
import numpy as np

N = 10000
E = 320000
F_IN = 128
HID = 128
HEADS = 1
NCLASS = 1
NEG_SLOPE = 0.2


def setup_inputs(seed: int = 0) -> dict:
    key = jax.random.key(seed)
    ks = jax.random.split(key, 10)
    x = jax.random.normal(ks[0], (N, F_IN), dtype=jnp.float32)
    edge_index = jax.random.randint(ks[1], (2, E), 0, N, dtype=jnp.int32)
    edge_weight = jax.random.uniform(ks[2], (E,), dtype=jnp.float32)
    # SimAttConv parameters (GAT-style attention modulated by edge similarity weights)
    W = jax.random.normal(ks[3], (F_IN, HEADS * HID), dtype=jnp.float32) * (1.0 / np.sqrt(F_IN))
    att_src = jax.random.normal(ks[4], (HEADS, HID), dtype=jnp.float32) * (1.0 / np.sqrt(HID))
    att_dst = jax.random.normal(ks[5], (HEADS, HID), dtype=jnp.float32) * (1.0 / np.sqrt(HID))
    bias = jnp.zeros((HEADS * HID,), dtype=jnp.float32)
    # final fc (xavier-ish)
    fc_W = jax.random.normal(ks[6], (HEADS * HID, NCLASS), dtype=jnp.float32) * (1.0 / np.sqrt(HEADS * HID))
    fc_b = jnp.zeros((NCLASS,), dtype=jnp.float32)
    return {
        'x': x,
        'edge_index': edge_index,
        'edge_weight': edge_weight,
        'W': W,
        'att_src': att_src,
        'att_dst': att_dst,
        'bias': bias,
        'fc_W': fc_W,
        'fc_b': fc_b,
    }


def reference(x, edge_index, edge_weight, W, att_src, att_dst, bias, fc_W, fc_b):
    src = edge_index[0]
    dst = edge_index[1]
    # linear projection, reshape to heads
    h = (x @ W).reshape(N, HEADS, HID)
    # per-node attention logits
    alpha_src = (h * att_src[None, :, :]).sum(-1)  # [N, H]
    alpha_dst = (h * att_dst[None, :, :]).sum(-1)  # [N, H]
    # per-edge attention (gather)
    alpha = alpha_src[src] + alpha_dst[dst]        # [E, H]
    alpha = jax.nn.leaky_relu(alpha, NEG_SLOPE)
    # segment softmax over incoming edges of each dst node
    amax = jax.ops.segment_max(alpha, dst, num_segments=N)
    amax = jnp.where(jnp.isfinite(amax), amax, 0.0)
    ex = jnp.exp(alpha - amax[dst])
    denom = jax.ops.segment_sum(ex, dst, num_segments=N)
    alpha_n = ex / (denom[dst] + 1e-16)
    # modulate attention by precomputed node-similarity edge weights (GUIDE)
    alpha_n = alpha_n * edge_weight[:, None]
    # message passing: gather source features, weight, scatter-add to dst
    msgs = h[src] * alpha_n[:, :, None]            # [E, H, C]
    out = jax.ops.segment_sum(msgs, dst, num_segments=N)  # [N, H, C]
    out = out.reshape(N, HEADS * HID) + bias
    # final classifier
    return out @ fc_W + fc_b

if __name__ == "__main__":
    import jax
    _d = setup_inputs()
    print(jax.jit(kernel)(*tuple(_d.values())))

</pallas_src>

<mosaic_0001>
#map = affine_map<(d0, d1) -> (0, 0, 0)>
#map1 = affine_map<(d0, d1) -> (0, 0)>
#map2 = affine_map<(d0, d1) -> (0)>
#map3 = affine_map<(d0, d1) -> (0, 0, 0, 0)>
module attributes {stable_mosaic.version = 14 : i64} {
  func.func @_edge_body(%arg0: i32, %arg1: i32, %arg2: memref<3x80x128xf32, #tpu.memory_space<hbm>>, %arg3: memref<2x320000xi32, #tpu.memory_space<hbm>>, %arg4: memref<320000xf32, #tpu.memory_space<hbm>>, %arg5: memref<32x2x80x128xf32, #tpu.memory_space<hbm>>, %arg6: memref<80x128xf32, #tpu.memory_space<vmem>>, %arg7: memref<80x128xf32, #tpu.memory_space<vmem>>, %arg8: memref<80x128xf32, #tpu.memory_space<vmem>>, %arg9: memref<2x10240xi32, #tpu.memory_space<vmem>>, %arg10: memref<10000xf32, #tpu.memory_space<vmem>>, %arg11: memref<80x128xf32, #tpu.memory_space<vmem>>, %arg12: memref<80x128xf32, #tpu.memory_space<vmem>>, %arg13: memref<!tpu.dma_semaphore, #tpu.memory_space<semaphore_mem>>) attributes {dimension_semantics = [#tpu.dimension_semantics<core_parallel>, #tpu.dimension_semantics<subcore_parallel>], iteration_bounds = array<i64: 2, 16>, scalar_prefetch = 0 : i64, scratch_operands = 8 : i64, tpu.core_type = #tpu.core_type<sc_vector_subcore>, window_params = [{transform_indices = #map}, {transform_indices = #map1}, {transform_indices = #map2}, {transform_indices = #map3}]} {
    %mul3A = arith.constant 2 : i32
    %mul3A_0 = arith.muli %arg1, %mul3A : i32
    %add3A = arith.addi %mul3A_0, %arg0 : i32
    %mul3A_1 = arith.constant 10000 : i32
    %mul3A_2 = arith.muli %add3A, %mul3A_1 : i32
    %jit3A = arith.constant 128 : i32
    %div3A = arith.divsi %mul3A_2, %jit3A : i32
    %sign3A = arith.constant 0 : i32
    %sign3A_3 = arith.cmpi sgt, %mul3A_2, %sign3A : i32
    %sign3A_4 = arith.extui %sign3A_3 : i1 to i32
    %sign3A_5 = arith.constant 0 : i32
    %sign3A_6 = arith.cmpi slt, %mul3A_2, %sign3A_5 : i32
    %sign3A_7 = arith.extui %sign3A_6 : i1 to i32
    %sign3A_8 = arith.subi %sign3A_4, %sign3A_7 : i32
    %sign3A_9 = arith.constant 0 : i32
    %sign3A_10 = arith.cmpi sgt, %jit3A, %sign3A_9 : i32
    %sign3A_11 = arith.extui %sign3A_10 : i1 to i32
    %sign3A_12 = arith.constant 0 : i32
    %sign3A_13 = arith.cmpi slt, %jit3A, %sign3A_12 : i32
    %sign3A_14 = arith.extui %sign3A_13 : i1 to i32
    %sign3A_15 = arith.subi %sign3A_11, %sign3A_14 : i32
    %ne3A = arith.cmpi ne, %sign3A_8, %sign3A_15 : i32
    %rem3A = arith.remsi %mul3A_2, %jit3A : i32
    %ne3A_16 = arith.constant 0 : i32
    %ne3A_17 = arith.cmpi ne, %rem3A, %ne3A_16 : i32
    %and3A = arith.andi %ne3A, %ne3A_17 : i1
    %sub3A = arith.constant 1 : i32
    %sub3A_18 = arith.subi %div3A, %sub3A : i32
    %select_n3A = arith.select %and3A, %sub3A_18, %div3A : i32
    %mul3A_19 = arith.constant 128 : i32
    %mul3A_20 = arith.muli %select_n3A, %mul3A_19 : i32
    %min3A = arith.constant 309760 : i32
    %min3A_21 = arith.minsi %mul3A_20, %min3A : i32
    %sub3A_22 = arith.subi %mul3A_2, %min3A_21 : i32
    %dma_start3A = arith.constant 0 : i32
    %dma_start3A_23 = arith.constant 0 : i32
    %dma_start3A_24 = arith.constant 0 : i32
    %dma_start3A_25 = tpu.memref_slice %arg2[%dma_start3A, %dma_start3A_23, %dma_start3A_24] : memref<3x80x128xf32, #tpu.memory_space<hbm>> -> memref<1x80x128xf32, #tpu.memory_space<hbm>>
    %dma_start3A_26 = tpu.memref_squeeze %dma_start3A_25 : memref<1x80x128xf32, #tpu.memory_space<hbm>> -> memref<80x128xf32, #tpu.memory_space<hbm>>
    %dma_start3A_27 = arith.constant 0 : i32
    %dma_start3A_28 = arith.constant 0 : i32
    %dma_start3A_29 = tpu.memref_slice %arg2[%dma_start3A, %dma_start3A_27, %dma_start3A_28] : memref<3x80x128xf32, #tpu.memory_space<hbm>> -> memref<1x80x128xf32, #tpu.memory_space<hbm>>
    %dma_start3A_30 = tpu.memref_squeeze %dma_start3A_29 : memref<1x80x128xf32, #tpu.memory_space<hbm>> -> memref<80x128xf32, #tpu.memory_space<hbm>>
    tpu.enqueue_dma source(%dma_start3A_30 : memref<80x128xf32, #tpu.memory_space<hbm>>) target(%arg6 : memref<80x128xf32, #tpu.memory_space<vmem>>) target_semaphore(%arg13 : memref<!tpu.dma_semaphore, #tpu.memory_space<semaphore_mem>>)
    %dma_start3A_31 = arith.constant 1 : i32
    %dma_start3A_32 = arith.constant 0 : i32
    %dma_start3A_33 = arith.constant 0 : i32
    %dma_start3A_34 = tpu.memref_slice %arg2[%dma_start3A_31, %dma_start3A_32, %dma_start3A_33] : memref<3x80x128xf32, #tpu.memory_space<hbm>> -> memref<1x80x128xf32, #tpu.memory_space<hbm>>
    %dma_start3A_35 = tpu.memref_squeeze %dma_start3A_34 : memref<1x80x128xf32, #tpu.memory_space<hbm>> -> memref<80x128xf32, #tpu.memory_space<hbm>>
    %dma_start3A_36 = arith.constant 0 : i32
    %dma_start3A_37 = arith.constant 0 : i32
    %dma_start3A_38 = tpu.memref_slice %arg2[%dma_start3A_31, %dma_start3A_36, %dma_start3A_37] : memref<3x80x128xf32, #tpu.memory_space<hbm>> -> memref<1x80x128xf32, #tpu.memory_space<hbm>>
    %dma_start3A_39 = tpu.memref_squeeze %dma_start3A_38 : memref<1x80x128xf32, #tpu.memory_space<hbm>> -> memref<80x128xf32, #tpu.memory_space<hbm>>
    tpu.enqueue_dma source(%dma_start3A_39 : memref<80x128xf32, #tpu.memory_space<hbm>>) target(%arg7 : memref<80x128xf32, #tpu.memory_space<vmem>>) target_semaphore(%arg13 : memref<!tpu.dma_semaphore, #tpu.memory_space<semaphore_mem>>)
    %dma_start3A_40 = arith.constant 2 : i32
    %dma_start3A_41 = arith.constant 0 : i32
    %dma_start3A_42 = arith.constant 0 : i32
    %dma_start3A_43 = tpu.memref_slice %arg2[%dma_start3A_40, %dma_start3A_41, %dma_start3A_42] : memref<3x80x128xf32, #tpu.memory_space<hbm>> -> memref<1x80x128xf32, #tpu.memory_space<hbm>>
    %dma_start3A_44 = tpu.memref_squeeze %dma_start3A_43 : memref<1x80x128xf32, #tpu.memory_space<hbm>> -> memref<80x128xf32, #tpu.memory_space<hbm>>
    %dma_start3A_45 = arith.constant 0 : i32
    %dma_start3A_46 = arith.constant 0 : i32
    %dma_start3A_47 = tpu.memref_slice %arg2[%dma_start3A_40, %dma_start3A_45, %dma_start3A_46] : memref<3x80x128xf32, #tpu.memory_space<hbm>> -> memref<1x80x128xf32, #tpu.memory_space<hbm>>
    %dma_start3A_48 = tpu.memref_squeeze %dma_start3A_47 : memref<1x80x128xf32, #tpu.memory_space<hbm>> -> memref<80x128xf32, #tpu.memory_space<hbm>>
    tpu.enqueue_dma source(%dma_start3A_48 : memref<80x128xf32, #tpu.memory_space<hbm>>) target(%arg8 : memref<80x128xf32, #tpu.memory_space<vmem>>) target_semaphore(%arg13 : memref<!tpu.dma_semaphore, #tpu.memory_space<semaphore_mem>>)
    %dma_start3A_49 = arith.constant 0 : i32
    %dma_start3A_50 = tpu.memref_slice %arg3[%dma_start3A_49, %min3A_21] : memref<2x320000xi32, #tpu.memory_space<hbm>> -> memref<2x10240xi32, #tpu.memory_space<hbm>>
    %dma_start3A_51 = arith.constant 0 : i32
    %dma_start3A_52 = tpu.memref_slice %arg3[%dma_start3A_51, %min3A_21] : memref<2x320000xi32, #tpu.memory_space<hbm>> -> memref<2x10240xi32, #tpu.memory_space<hbm>>
    tpu.enqueue_dma source(%dma_start3A_52 : memref<2x10240xi32, #tpu.memory_space<hbm>>) target(%arg9 : memref<2x10240xi32, #tpu.memory_space<vmem>>) target_semaphore(%arg13 : memref<!tpu.dma_semaphore, #tpu.memory_space<semaphore_mem>>)
    %dma_start3A_53 = tpu.memref_slice %arg4[%mul3A_2] : memref<320000xf32, #tpu.memory_space<hbm>> -> memref<10000xf32, #tpu.memory_space<hbm>>
    %dma_start3A_54 = tpu.memref_slice %arg4[%mul3A_2] : memref<320000xf32, #tpu.memory_space<hbm>> -> memref<10000xf32, #tpu.memory_space<hbm>>
    tpu.enqueue_dma source(%dma_start3A_54 : memref<10000xf32, #tpu.memory_space<hbm>>) target(%arg10 : memref<10000xf32, #tpu.memory_space<vmem>>) target_semaphore(%arg13 : memref<!tpu.dma_semaphore, #tpu.memory_space<semaphore_mem>>)
    %broadcast_in_dim3A = arith.constant 0.000000e+00 : f32
    %broadcast_in_dim3A_55 = vector.broadcast %broadcast_in_dim3A : f32 to vector<16xf32>
    %parallel_loop3A = arith.constant 0 : i32
    %parallel_loop3A_56 = arith.constant 10240 : i32
    %parallel_loop3A_57 = arith.constant 16 : i32
    scf.for %parallel_loop3A_94 = %parallel_loop3A to %parallel_loop3A_56 step %parallel_loop3A_57  : i32 {
      %parallel_loop3A_95 = arith.constant 7 : i32
      %parallel_loop3A_96 = arith.shrui %parallel_loop3A_94, %parallel_loop3A_95 : i32
      %parallel_loop3A_97 = arith.constant 127 : i32
      %parallel_loop3A_98 = arith.andi %parallel_loop3A_94, %parallel_loop3A_97 : i32
      %parallel_loop3A_99 = arith.index_cast %parallel_loop3A_96 : i32 to index
      %parallel_loop3A_100 = arith.index_cast %parallel_loop3A_98 : i32 to index
      %parallel_loop3A_101 = tpu.vector_load %arg11[%parallel_loop3A_99, %parallel_loop3A_100] {strides = array<i32>} : memref<80x128xf32, #tpu.memory_space<vmem>>, vector<16xf32>,
      tpu.vector_store %arg11[%parallel_loop3A_99, %parallel_loop3A_100], %broadcast_in_dim3A_55 {strides = array<i32>} : memref<80x128xf32, #tpu.memory_space<vmem>>, vector<16xf32>,
      %parallel_loop3A_102 = arith.index_cast %parallel_loop3A_96 : i32 to index
      %parallel_loop3A_103 = arith.index_cast %parallel_loop3A_98 : i32 to index
      %parallel_loop3A_104 = tpu.vector_load %arg12[%parallel_loop3A_102, %parallel_loop3A_103] {strides = array<i32>} : memref<80x128xf32, #tpu.memory_space<vmem>>, vector<16xf32>,
      tpu.vector_store %arg12[%parallel_loop3A_102, %parallel_loop3A_103], %broadcast_in_dim3A_55 {strides = array<i32>} : memref<80x128xf32, #tpu.memory_space<vmem>>, vector<16xf32>,
    } {sc.loop_unroll_factor = 8 : i64, sc.parallel_access}
    %dma_wait3A = arith.constant 0 : i32
    %dma_wait3A_58 = arith.constant 0 : i32
    %dma_wait3A_59 = arith.constant 0 : i32
    %dma_wait3A_60 = tpu.memref_slice %arg2[%dma_wait3A, %dma_wait3A_58, %dma_wait3A_59] : memref<3x80x128xf32, #tpu.memory_space<hbm>> -> memref<1x80x128xf32, #tpu.memory_space<hbm>>
    %dma_wait3A_61 = tpu.memref_squeeze %dma_wait3A_60 : memref<1x80x128xf32, #tpu.memory_space<hbm>> -> memref<80x128xf32, #tpu.memory_space<hbm>>
    %dma_wait3A_62 = arith.constant 0 : i32
    %dma_wait3A_63 = arith.constant 0 : i32
    %dma_wait3A_64 = tpu.memref_slice %arg2[%dma_wait3A, %dma_wait3A_62, %dma_wait3A_63] : memref<3x80x128xf32, #tpu.memory_space<hbm>> -> memref<1x80x128xf32, #tpu.memory_space<hbm>>
    %dma_wait3A_65 = tpu.memref_squeeze %dma_wait3A_64 : memref<1x80x128xf32, #tpu.memory_space<hbm>> -> memref<80x128xf32, #tpu.memory_space<hbm>>
    tpu.wait_dma2 semaphore(%arg13 : memref<!tpu.dma_semaphore, #tpu.memory_space<semaphore_mem>>) src(%dma_wait3A_65 : memref<80x128xf32, #tpu.memory_space<hbm>>) dst(%arg6 : memref<80x128xf32, #tpu.memory_space<vmem>>)
    %dma_wait3A_66 = arith.constant 1 : i32
    %dma_wait3A_67 = arith.constant 0 : i32
    %dma_wait3A_68 = arith.constant 0 : i32
    %dma_wait3A_69 = tpu.memref_slice %arg2[%dma_wait3A_66, %dma_wait3A_67, %dma_wait3A_68] : memref<3x80x128xf32, #tpu.memory_space<hbm>> -> memref<1x80x128xf32, #tpu.memory_space<hbm>>
    %dma_wait3A_70 = tpu.memref_squeeze %dma_wait3A_69 : memref<1x80x128xf32, #tpu.memory_space<hbm>> -> memref<80x128xf32, #tpu.memory_space<hbm>>
    %dma_wait3A_71 = arith.constant 0 : i32
    %dma_wait3A_72 = arith.constant 0 : i32
    %dma_wait3A_73 = tpu.memref_slice %arg2[%dma_wait3A_66, %dma_wait3A_71, %dma_wait3A_72] : memref<3x80x128xf32, #tpu.memory_space<hbm>> -> memref<1x80x128xf32, #tpu.memory_space<hbm>>
    %dma_wait3A_74 = tpu.memref_squeeze %dma_wait3A_73 : memref<1x80x128xf32, #tpu.memory_space<hbm>> -> memref<80x128xf32, #tpu.memory_space<hbm>>
    tpu.wait_dma2 semaphore(%arg13 : memref<!tpu.dma_semaphore, #tpu.memory_space<semaphore_mem>>) src(%dma_wait3A_74 : memref<80x128xf32, #tpu.memory_space<hbm>>) dst(%arg7 : memref<80x128xf32, #tpu.memory_space<vmem>>)
    %dma_wait3A_75 = arith.constant 2 : i32
    %dma_wait3A_76 = arith.constant 0 : i32
    %dma_wait3A_77 = arith.constant 0 : i32
    %dma_wait3A_78 = tpu.memref_slice %arg2[%dma_wait3A_75, %dma_wait3A_76, %dma_wait3A_77] : memref<3x80x128xf32, #tpu.memory_space<hbm>> -> memref<1x80x128xf32, #tpu.memory_space<hbm>>
    %dma_wait3A_79 = tpu.memref_squeeze %dma_wait3A_78 : memref<1x80x128xf32, #tpu.memory_space<hbm>> -> memref<80x128xf32, #tpu.memory_space<hbm>>
    %dma_wait3A_80 = arith.constant 0 : i32
    %dma_wait3A_81 = arith.constant 0 : i32
    %dma_wait3A_82 = tpu.memref_slice %arg2[%dma_wait3A_75, %dma_wait3A_80, %dma_wait3A_81] : memref<3x80x128xf32, #tpu.memory_space<hbm>> -> memref<1x80x128xf32, #tpu.memory_space<hbm>>
    %dma_wait3A_83 = tpu.memref_squeeze %dma_wait3A_82 : memref<1x80x128xf32, #tpu.memory_space<hbm>> -> memref<80x128xf32, #tpu.memory_space<hbm>>
    tpu.wait_dma2 semaphore(%arg13 : memref<!tpu.dma_semaphore, #tpu.memory_space<semaphore_mem>>) src(%dma_wait3A_83 : memref<80x128xf32, #tpu.memory_space<hbm>>) dst(%arg8 : memref<80x128xf32, #tpu.memory_space<vmem>>)
    %dma_wait3A_84 = arith.constant 0 : i32
    %dma_wait3A_85 = tpu.memref_slice %arg3[%dma_wait3A_84, %min3A_21] : memref<2x320000xi32, #tpu.memory_space<hbm>> -> memref<2x10240xi32, #tpu.memory_space<hbm>>
    %dma_wait3A_86 = arith.constant 0 : i32
    %dma_wait3A_87 = tpu.memref_slice %arg3[%dma_wait3A_86, %min3A_21] : memref<2x320000xi32, #tpu.memory_space<hbm>> -> memref<2x10240xi32, #tpu.memory_space<hbm>>
    tpu.wait_dma2 semaphore(%arg13 : memref<!tpu.dma_semaphore, #tpu.memory_space<semaphore_mem>>) src(%dma_wait3A_87 : memref<2x10240xi32, #tpu.memory_space<hbm>>) dst(%arg9 : memref<2x10240xi32, #tpu.memory_space<vmem>>)
    %dma_wait3A_88 = tpu.memref_slice %arg4[%mul3A_2] : memref<320000xf32, #tpu.memory_space<hbm>> -> memref<10000xf32, #tpu.memory_space<hbm>>
    %dma_wait3A_89 = tpu.memref_slice %arg4[%mul3A_2] : memref<320000xf32, #tpu.memory_space<hbm>> -> memref<10000xf32, #tpu.memory_space<hbm>>
    tpu.wait_dma2 semaphore(%arg13 : memref<!tpu.dma_semaphore, #tpu.memory_space<semaphore_mem>>) src(%dma_wait3A_89 : memref<10000xf32, #tpu.memory_space<hbm>>) dst(%arg10 : memref<10000xf32, #tpu.memory_space<vmem>>)
    %parallel_loop3A_90 = arith.constant 0 : i32
    %parallel_loop3A_91 = arith.constant 10000 : i32
    %parallel_loop3A_92 = arith.constant 16 : i32
    scf.for %parallel_loop3A_94 = %parallel_loop3A_90 to %parallel_loop3A_91 step %parallel_loop3A_92  : i32 {
      %parallel_loop3A_95 = arith.addi %sub3A_22, %parallel_loop3A_94 : i32
      %parallel_loop3A_96 = arith.constant 0 : i32
      %parallel_loop3A_97 = arith.index_cast %parallel_loop3A_96 : i32 to index
      %parallel_loop3A_98 = arith.index_cast %parallel_loop3A_95 : i32 to index
      %parallel_loop3A_99 = tpu.vector_load %arg9[%parallel_loop3A_97, %parallel_loop3A_98] {strides = array<i32>} : memref<2x10240xi32, #tpu.memory_space<vmem>>, vector<16xi32>,
      %parallel_loop3A_100 = arith.constant 1 : i32
      %parallel_loop3A_101 = arith.index_cast %parallel_loop3A_100 : i32 to index
      %parallel_loop3A_102 = arith.index_cast %parallel_loop3A_95 : i32 to index
      %parallel_loop3A_103 = tpu.vector_load %arg9[%parallel_loop3A_101, %parallel_loop3A_102] {strides = array<i32>} : memref<2x10240xi32, #tpu.memory_space<vmem>>, vector<16xi32>,
      %parallel_loop3A_104 = arith.index_cast %parallel_loop3A_94 : i32 to index
      %parallel_loop3A_105 = tpu.vector_load %arg10[%parallel_loop3A_104] {strides = array<i32>} : memref<10000xf32, #tpu.memory_space<vmem>>, vector<16xf32>,
      %parallel_loop3A_106 = arith.constant 7 : i32
      %parallel_loop3A_107 = vector.broadcast %parallel_loop3A_106 : i32 to vector<16xi32>
      %parallel_loop3A_108 = arith.shrui %parallel_loop3A_99, %parallel_loop3A_107 : vector<16xi32>
      %parallel_loop3A_109 = arith.constant 127 : i32
      %parallel_loop3A_110 = vector.broadcast %parallel_loop3A_109 : i32 to vector<16xi32>
      %parallel_loop3A_111 = arith.andi %parallel_loop3A_99, %parallel_loop3A_110 : vector<16xi32>
      %parallel_loop3A_112 = arith.constant 7 : i32
      %parallel_loop3A_113 = vector.broadcast %parallel_loop3A_112 : i32 to vector<16xi32>
      %parallel_loop3A_114 = arith.shrui %parallel_loop3A_103, %parallel_loop3A_113 : vector<16xi32>
      %parallel_loop3A_115 = arith.constant 127 : i32
      %parallel_loop3A_116 = vector.broadcast %parallel_loop3A_115 : i32 to vector<16xi32>
      %parallel_loop3A_117 = arith.andi %parallel_loop3A_103, %parallel_loop3A_116 : vector<16xi32>
      %parallel_loop3A_118 = tpu.vector_load_idx %arg6[%parallel_loop3A_108, %parallel_loop3A_111] : memref<80x128xf32, #tpu.memory_space<vmem>>[vector<16xi32>, vector<16xi32>], vector<16xf32>,
      %parallel_loop3A_119 = tpu.vector_load_idx %arg7[%parallel_loop3A_114, %parallel_loop3A_117] : memref<80x128xf32, #tpu.memory_space<vmem>>[vector<16xi32>, vector<16xi32>], vector<16xf32>,
      %parallel_loop3A_120 = tpu.vector_load_idx %arg8[%parallel_loop3A_108, %parallel_loop3A_111] : memref<80x128xf32, #tpu.memory_space<vmem>>[vector<16xi32>, vector<16xi32>], vector<16xf32>,
      %parallel_loop3A_121 = arith.addf %parallel_loop3A_118, %parallel_loop3A_119 : vector<16xf32>
      %parallel_loop3A_122 = arith.constant 0.000000e+00 : f32
      %parallel_loop3A_123 = vector.broadcast %parallel_loop3A_122 : f32 to vector<16xf32>
      %parallel_loop3A_124 = arith.cmpf oge, %parallel_loop3A_121, %parallel_loop3A_123 : vector<16xf32>
      %parallel_loop3A_125 = arith.constant 2.000000e-01 : f32
      %parallel_loop3A_126 = vector.broadcast %parallel_loop3A_125 : f32 to vector<16xf32>
      %parallel_loop3A_127 = arith.mulf %parallel_loop3A_121, %parallel_loop3A_126 : vector<16xf32>
      %parallel_loop3A_128 = arith.select %parallel_loop3A_124, %parallel_loop3A_121, %parallel_loop3A_127 : vector<16xi1>, vector<16xf32>
      %parallel_loop3A_129 = math.exp %parallel_loop3A_128 : vector<16xf32>
      tpu.vector_store_idx %arg12[%parallel_loop3A_114, %parallel_loop3A_117], %parallel_loop3A_129 {add = true} : memref<80x128xf32, #tpu.memory_space<vmem>>[vector<16xi32>, vector<16xi32>], vector<16xf32>,
      %parallel_loop3A_130 = arith.mulf %parallel_loop3A_129, %parallel_loop3A_105 : vector<16xf32>
      %parallel_loop3A_131 = arith.mulf %parallel_loop3A_130, %parallel_loop3A_120 : vector<16xf32>
      tpu.vector_store_idx %arg11[%parallel_loop3A_114, %parallel_loop3A_117], %parallel_loop3A_131 {add = true} : memref<80x128xf32, #tpu.memory_space<vmem>>[vector<16xi32>, vector<16xi32>], vector<16xf32>,
    } {sc.loop_unroll_factor = 5 : i64, sc.parallel_access}
    %run_scoped3A = arith.constant 0 : i32
    "tpu.region"() ({
      %run_scoped3A_94 = tpu.sem_alloc : memref<!tpu.dma_semaphore, #tpu.memory_space<semaphore_mem>>
      %dma_start3A_95 = arith.constant 0 : i32
      %dma_start3A_96 = arith.constant 0 : i32
      %dma_start3A_97 = tpu.memref_slice %arg5[%add3A, %run_scoped3A, %dma_start3A_95, %dma_start3A_96] : memref<32x2x80x128xf32, #tpu.memory_space<hbm>> -> memref<1x1x80x128xf32, #tpu.memory_space<hbm>>
      %dma_start3A_98 = tpu.memref_squeeze %dma_start3A_97 : memref<1x1x80x128xf32, #tpu.memory_space<hbm>> -> memref<80x128xf32, #tpu.memory_space<hbm>>
      %dma_start3A_99 = arith.constant 0 : i32
      %dma_start3A_100 = arith.constant 0 : i32
      %dma_start3A_101 = tpu.memref_slice %arg5[%add3A, %run_scoped3A, %dma_start3A_99, %dma_start3A_100] : memref<32x2x80x128xf32, #tpu.memory_space<hbm>> -> memref<1x1x80x128xf32, #tpu.memory_space<hbm>>
      %dma_start3A_102 = tpu.memref_squeeze %dma_start3A_101 : memref<1x1x80x128xf32, #tpu.memory_space<hbm>> -> memref<80x128xf32, #tpu.memory_space<hbm>>
      tpu.enqueue_dma source(%arg11 : memref<80x128xf32, #tpu.memory_space<vmem>>) target(%dma_start3A_102 : memref<80x128xf32, #tpu.memory_space<hbm>>) target_semaphore(%run_scoped3A_94 : memref<!tpu.dma_semaphore, #tpu.memory_space<semaphore_mem>>)
      %dma_wait3A_103 = arith.constant 0 : i32
      %dma_wait3A_104 = arith.constant 0 : i32
      %dma_wait3A_105 = tpu.memref_slice %arg5[%add3A, %run_scoped3A, %dma_wait3A_103, %dma_wait3A_104] : memref<32x2x80x128xf32, #tpu.memory_space<hbm>> -> memref<1x1x80x128xf32, #tpu.memory_space<hbm>>
      %dma_wait3A_106 = tpu.memref_squeeze %dma_wait3A_105 : memref<1x1x80x128xf32, #tpu.memory_space<hbm>> -> memref<80x128xf32, #tpu.memory_space<hbm>>
      %dma_wait3A_107 = arith.constant 0 : i32
      %dma_wait3A_108 = arith.constant 0 : i32
      %dma_wait3A_109 = tpu.memref_slice %arg5[%add3A, %run_scoped3A, %dma_wait3A_107, %dma_wait3A_108] : memref<32x2x80x128xf32, #tpu.memory_space<hbm>> -> memref<1x1x80x128xf32, #tpu.memory_space<hbm>>
      %dma_wait3A_110 = tpu.memref_squeeze %dma_wait3A_109 : memref<1x1x80x128xf32, #tpu.memory_space<hbm>> -> memref<80x128xf32, #tpu.memory_space<hbm>>
      tpu.wait_dma2 semaphore(%run_scoped3A_94 : memref<!tpu.dma_semaphore, #tpu.memory_space<semaphore_mem>>) src(%arg11 : memref<80x128xf32, #tpu.memory_space<vmem>>) dst(%dma_wait3A_110 : memref<80x128xf32, #tpu.memory_space<hbm>>)
      tpu.yield
    }) : () -> ()
    %run_scoped3A_93 = arith.constant 1 : i32
    "tpu.region"() ({
      %run_scoped3A_94 = tpu.sem_alloc : memref<!tpu.dma_semaphore, #tpu.memory_space<semaphore_mem>>
      %dma_start3A_95 = arith.constant 0 : i32
      %dma_start3A_96 = arith.constant 0 : i32
      %dma_start3A_97 = tpu.memref_slice %arg5[%add3A, %run_scoped3A_93, %dma_start3A_95, %dma_start3A_96] : memref<32x2x80x128xf32, #tpu.memory_space<hbm>> -> memref<1x1x80x128xf32, #tpu.memory_space<hbm>>
      %dma_start3A_98 = tpu.memref_squeeze %dma_start3A_97 : memref<1x1x80x128xf32, #tpu.memory_space<hbm>> -> memref<80x128xf32, #tpu.memory_space<hbm>>
      %dma_start3A_99 = arith.constant 0 : i32
      %dma_start3A_100 = arith.constant 0 : i32
      %dma_start3A_101 = tpu.memref_slice %arg5[%add3A, %run_scoped3A_93, %dma_start3A_99, %dma_start3A_100] : memref<32x2x80x128xf32, #tpu.memory_space<hbm>> -> memref<1x1x80x128xf32, #tpu.memory_space<hbm>>
      %dma_start3A_102 = tpu.memref_squeeze %dma_start3A_101 : memref<1x1x80x128xf32, #tpu.memory_space<hbm>> -> memref<80x128xf32, #tpu.memory_space<hbm>>
      tpu.enqueue_dma source(%arg12 : memref<80x128xf32, #tpu.memory_space<vmem>>) target(%dma_start3A_102 : memref<80x128xf32, #tpu.memory_space<hbm>>) target_semaphore(%run_scoped3A_94 : memref<!tpu.dma_semaphore, #tpu.memory_space<semaphore_mem>>)
      %dma_wait3A_103 = arith.constant 0 : i32
      %dma_wait3A_104 = arith.constant 0 : i32
      %dma_wait3A_105 = tpu.memref_slice %arg5[%add3A, %run_scoped3A_93, %dma_wait3A_103, %dma_wait3A_104] : memref<32x2x80x128xf32, #tpu.memory_space<hbm>> -> memref<1x1x80x128xf32, #tpu.memory_space<hbm>>
      %dma_wait3A_106 = tpu.memref_squeeze %dma_wait3A_105 : memref<1x1x80x128xf32, #tpu.memory_space<hbm>> -> memref<80x128xf32, #tpu.memory_space<hbm>>
      %dma_wait3A_107 = arith.constant 0 : i32
      %dma_wait3A_108 = arith.constant 0 : i32
      %dma_wait3A_109 = tpu.memref_slice %arg5[%add3A, %run_scoped3A_93, %dma_wait3A_107, %dma_wait3A_108] : memref<32x2x80x128xf32, #tpu.memory_space<hbm>> -> memref<1x1x80x128xf32, #tpu.memory_space<hbm>>
      %dma_wait3A_110 = tpu.memref_squeeze %dma_wait3A_109 : memref<1x1x80x128xf32, #tpu.memory_space<hbm>> -> memref<80x128xf32, #tpu.memory_space<hbm>>
      tpu.wait_dma2 semaphore(%run_scoped3A_94 : memref<!tpu.dma_semaphore, #tpu.memory_space<semaphore_mem>>) src(%arg12 : memref<80x128xf32, #tpu.memory_space<vmem>>) dst(%dma_wait3A_110 : memref<80x128xf32, #tpu.memory_space<hbm>>)
      tpu.yield
    }) : () -> ()
    return
  }
}

module attributes {stable_mosaic.version = 14 : i64} {
  func.func @_finish_body(%arg0: memref<32x2x80x128xf32, #tpu.memory_space<vmem>>, %arg1: memref<1x128xf32, #tpu.memory_space<vmem>>, %arg2: memref<1x128xf32, #tpu.memory_space<vmem>>, %arg3: memref<1x1xf32, #tpu.memory_space<vmem>>, %arg4: memref<80x128xf32, #tpu.memory_space<vmem>>) attributes {dimension_semantics = [], scalar_prefetch = 0 : i64, scratch_operands = 0 : i64, tpu.core_type = #tpu.core_type<tc>} {
    %get3A = arith.constant 0 : index
    %get3A_0 = arith.constant 0 : index
    %get3A_1 = arith.constant 0 : index
    %get3A_2 = arith.constant 0 : index
    %get3A_3 = vector.load %arg0[%get3A, %get3A_0, %get3A_1, %get3A_2] : memref<32x2x80x128xf32, #tpu.memory_space<vmem>>, vector<32x1x80x128xf32>
    %get3A_4 = vector.shape_cast %get3A_3 : vector<32x1x80x128xf32> to vector<32x80x128xf32>
    %reduce_sum3A = arith.constant dense<0.000000e+00> : vector<80x128xf32>
    %reduce_sum3A_5 = vector.multi_reduction <add>, %get3A_4, %reduce_sum3A [0] : vector<32x80x128xf32> to vector<80x128xf32>
    %get3A_6 = arith.constant 0 : index
    %get3A_7 = arith.constant 1 : index
    %get3A_8 = arith.constant 0 : index
    %get3A_9 = arith.constant 0 : index
    %get3A_10 = vector.load %arg0[%get3A_6, %get3A_7, %get3A_8, %get3A_9] : memref<32x2x80x128xf32, #tpu.memory_space<vmem>>, vector<32x1x80x128xf32>
    %get3A_11 = vector.shape_cast %get3A_10 : vector<32x1x80x128xf32> to vector<32x80x128xf32>
    %reduce_sum3A_12 = arith.constant dense<0.000000e+00> : vector<80x128xf32>
    %reduce_sum3A_13 = vector.multi_reduction <add>, %get3A_11, %reduce_sum3A_12 [0] : vector<32x80x128xf32> to vector<80x128xf32>
    %get3A_14 = arith.constant 0 : index
    %get3A_15 = arith.constant 0 : index
    %get3A_16 = vector.load %arg1[%get3A_14, %get3A_15] : memref<1x128xf32, #tpu.memory_space<vmem>>, vector<1x128xf32>
    %get3A_17 = arith.constant 0 : index
    %get3A_18 = arith.constant 0 : index
    %get3A_19 = vector.load %arg2[%get3A_17, %get3A_18] : memref<1x128xf32, #tpu.memory_space<vmem>>, vector<1x128xf32>
    %mul3A = arith.mulf %get3A_16, %get3A_19 : vector<1x128xf32>
    %reduce_sum3A_20 = vector.shape_cast %mul3A : vector<1x128xf32> to vector<1x1x128xf32>
    %reduce_sum3A_21 = arith.constant dense<0.000000e+00> : vector<1xf32>
    %reduce_sum3A_22 = vector.multi_reduction <add>, %reduce_sum3A_20, %reduce_sum3A_21 [1, 2] : vector<1x1x128xf32> to vector<1xf32>
    %reduce_sum3A_23 = vector.shape_cast %reduce_sum3A_22 : vector<1xf32> to vector<1x1x1xf32>
    %reduce_sum3A_24 = vector.extract %reduce_sum3A_23[0, 0, 0] : f32 from vector<1x1x1xf32>
    %get3A_25 = arith.constant 0 : index
    %get3A_26 = arith.constant 0 : index
    %get3A_27 = vector.load %arg3[%get3A_25, %get3A_26] : memref<1x1xf32, #tpu.memory_space<vmem>>, vector<1x1xf32>
    %get3A_28 = vector.extract %get3A_27[0, 0] : f32 from vector<1x1xf32>
    %add3A = arith.addf %reduce_sum3A_24, %get3A_28 : f32
    %add3A_29 = arith.constant 1.000000e-16 : f32
    %add3A_30 = vector.broadcast %add3A_29 : f32 to vector<80x128xf32>
    %add3A_31 = arith.addf %reduce_sum3A_13, %add3A_30 : vector<80x128xf32>
    %div3A = arith.divf %reduce_sum3A_5, %add3A_31 : vector<80x128xf32>
    %add3A_32 = vector.broadcast %add3A : f32 to vector<80x128xf32>
    %add3A_33 = arith.addf %div3A, %add3A_32 : vector<80x128xf32>
    %swap3A = arith.constant 0 : index
    %swap3A_34 = arith.constant 0 : index
    %swap3A_35 = vector.load %arg4[%swap3A, %swap3A_34] : memref<80x128xf32, #tpu.memory_space<vmem>>, vector<80x128xf32>
    tpu.vector_store %arg4[%swap3A, %swap3A_34], %add3A_33 {strides = array<i32>} : memref<80x128xf32, #tpu.memory_space<vmem>>, vector<80x128xf32>,
    return
  }
}

module attributes {stable_mosaic.version = 14 : i64} {
  func.func @_project_body(%arg0: i32, %arg1: memref<2048x128xf32, #tpu.memory_space<vmem>>, %arg2: memref<128x128xf32, #tpu.memory_space<vmem>>, %arg3: memref<1x128xf32, #tpu.memory_space<vmem>>, %arg4: memref<1x128xf32, #tpu.memory_space<vmem>>, %arg5: memref<1x128xf32, #tpu.memory_space<vmem>>, %arg6: memref<3x16x128xf32, #tpu.memory_space<vmem>>) attributes {dimension_semantics = [#tpu.dimension_semantics<arbitrary>], iteration_bounds = array<i64: 5>, scalar_prefetch = 0 : i64, scratch_operands = 0 : i64, tpu.core_type = #tpu.core_type<tc>, window_params = [{transform_indices = @transform_0, window_bounds = array<i64: 2048, 128>}, {pipeline_mode = #tpu.pipeline_mode<synchronous>, transform_indices = @transform_1, window_bounds = array<i64: 128, 128>}, {pipeline_mode = #tpu.pipeline_mode<synchronous>, transform_indices = @transform_2, window_bounds = array<i64: 1, 128>}, {pipeline_mode = #tpu.pipeline_mode<synchronous>, transform_indices = @transform_3, window_bounds = array<i64: 1, 128>}, {pipeline_mode = #tpu.pipeline_mode<synchronous>, transform_indices = @transform_4, window_bounds = array<i64: 1, 128>}, {transform_indices = @transform_5, window_bounds = array<i64: 3, 16, 128>}]} {
    %get3A = arith.constant 0 : index
    %get3A_0 = arith.constant 0 : index
    %get3A_1 = vector.load %arg3[%get3A, %get3A_0] : memref<1x128xf32, #tpu.memory_space<vmem>>, vector<1x128xf32>
    %get3A_2 = arith.constant 0 : index
    %get3A_3 = arith.constant 0 : index
    %get3A_4 = vector.load %arg4[%get3A_2, %get3A_3] : memref<1x128xf32, #tpu.memory_space<vmem>>, vector<1x128xf32>
    %get3A_5 = arith.constant 0 : index
    %get3A_6 = arith.constant 0 : index
    %get3A_7 = vector.load %arg5[%get3A_5, %get3A_6] : memref<1x128xf32, #tpu.memory_space<vmem>>, vector<1x128xf32>
    %concatenate3A = tpu.concatenate %get3A_1, %get3A_4, %get3A_7 in 0 : vector<1x128xf32>, vector<1x128xf32>, vector<1x128xf32> -> vector<3x128xf32>
    %get3A_8 = arith.constant 0 : index
    %get3A_9 = arith.constant 0 : index
    %get3A_10 = vector.load %arg2[%get3A_8, %get3A_9] : memref<128x128xf32, #tpu.memory_space<vmem>>, vector<128x128xf32>
    %dot_general3A = arith.constant dense<0.000000e+00> : vector<3x128xf32>
    %dot_general3A_11 = tpu.matmul %concatenate3A, %get3A_10, %dot_general3A {dimension_numbers = #tpu.dot_dimension_numbers<[1], [1], [0], [0], [0, 0, 1, 0], [], []>, transpose_lhs_hint = false} : vector<3x128xf32>, vector<128x128xf32>, vector<3x128xf32> -> vector<3x128xf32>
    %get3A_12 = arith.constant 0 : index
    %get3A_13 = arith.constant 0 : index
    %get3A_14 = vector.load %arg1[%get3A_12, %get3A_13] : memref<2048x128xf32, #tpu.memory_space<vmem>>, vector<2048x128xf32>
    %dot_general3A_15 = arith.constant dense<0.000000e+00> : vector<3x2048xf32>
    %dot_general3A_16 = tpu.matmul %dot_general3A_11, %get3A_14, %dot_general3A_15 {dimension_numbers = #tpu.dot_dimension_numbers<[1], [1], [0], [0], [0, 0, 1, 0], [], []>, transpose_lhs_hint = false} : vector<3x128xf32>, vector<2048x128xf32>, vector<3x2048xf32> -> vector<3x2048xf32>
    %reshape3A = vector.shape_cast %dot_general3A_16 : vector<3x2048xf32> to vector<3x16x128xf32>
    %swap3A = arith.constant 0 : index
    %swap3A_17 = arith.constant 0 : index
    %swap3A_18 = arith.constant 0 : index
    %swap3A_19 = vector.load %arg6[%swap3A, %swap3A_17, %swap3A_18] : memref<3x16x128xf32, #tpu.memory_space<vmem>>, vector<3x16x128xf32>
    tpu.vector_store %arg6[%swap3A, %swap3A_17, %swap3A_18], %reshape3A {strides = array<i32>} : memref<3x16x128xf32, #tpu.memory_space<vmem>>, vector<3x16x128xf32>,
    return
  }
  func.func @transform_0(%arg0: i32) -> (i32, i32) {
    %c0_i32 = arith.constant 0 : i32
    %c0_i32_0 = arith.constant 0 : i32
    return %arg0, %c0_i32 : i32, i32
  }
  func.func @transform_1(%arg0: i32) -> (i32, i32) {
    %c0_i32 = arith.constant 0 : i32
    %c0_i32_0 = arith.constant 0 : i32
    %c0_i32_1 = arith.constant 0 : i32
    return %c0_i32, %c0_i32_0 : i32, i32
  }
  func.func @transform_2(%arg0: i32) -> (i32, i32) {
    %c0_i32 = arith.constant 0 : i32
    %c0_i32_0 = arith.constant 0 : i32
    %c0_i32_1 = arith.constant 0 : i32
    return %c0_i32, %c0_i32_0 : i32, i32
  }
  func.func @transform_3(%arg0: i32) -> (i32, i32) {
    %c0_i32 = arith.constant 0 : i32
    %c0_i32_0 = arith.constant 0 : i32
    %c0_i32_1 = arith.constant 0 : i32
    return %c0_i32, %c0_i32_0 : i32, i32
  }
  func.func @transform_4(%arg0: i32) -> (i32, i32) {
    %c0_i32 = arith.constant 0 : i32
    %c0_i32_0 = arith.constant 0 : i32
    %c0_i32_1 = arith.constant 0 : i32
    return %c0_i32, %c0_i32_0 : i32, i32
  }
  func.func @transform_5(%arg0: i32) -> (i32, i32, i32) {
    %c0_i32 = arith.constant 0 : i32
    %c0_i32_0 = arith.constant 0 : i32
    %c0_i32_1 = arith.constant 0 : i32
    return %c0_i32, %arg0, %c0_i32_0 : i32, i32, i32
  }
}

</mosaic_0001>

<sc_bundles>
// kernel: kernel.5.cloned.1.call-start
scs
__scs_entry_jumppad:
0x0: {  	(pc) =	sbr.rel $0x88, $3  }
0x1: {  	(tag) =	ssettag $0x0;
	lr =	simm.s32 $0x1  }
0x2: {  	[smem:$0x3F98] =	sst lr;
	_ =	strace $0xD0000000  }
0x3: {  	_ = 	snop  }
0x4: {  	_ = 	snop  }
0x5: {  	_ = 	snop  }
0x6: {  	_ = 	snop  }
0x7: {  	_ = 	snop  }
__scs_overlays_trampoline_lowered:
0x8: {  	[smem:$0x3FA7] =	sst s0  }
0x9: {  	[smem:$0x3FA8] =	sst s1  }
0xa: {  	[smem:$0x3FA9] =	sst s2  }
0xb: {  	[smem:$0x3FAA] =	sst s3  }
0xc: {  	[smem:$0x3FAB] =	sst s4  }
0xd: {  	[smem:$0x3FAC] =	sst s5  }
0xe: {  	[smem:$0x3FAD] =	sst s6  }
0xf: {  	[smem:$0x3FAE] =	sst s7  }
0x10: {  	[smem:$0x3FAF] =	sst s8  }
0x11: {  	[smem:$0x3FB0] =	sst s9;
	s0 =	simm.s32 @!p0 $0x0  }
0x12: {  	s1 =	sld [smem:$0x3F96];
	s0 =	simm.s32 @p0 $0x1  }
0x13: {  	[smem:$0x3FB1] =	sst s0;
	s0 =	simm.s32 @!p1 $0x0  }
0x14: {  	s2 =	sld [smem:$0x3F95];
	s0 =	simm.s32 @p1 $0x1  }
0x15: {  	[smem:$0x3FB2] =	sst s0;
	s0 =	simm.s32 @!p2 $0x0  }
0x16: {  	s3 =	sld [smem:$0x3FDB];
	s0 =	simm.s32 @p2 $0x1  }
0x17: {  	s4 =	simm.s32 $0x1BF5;
	[smem:$0x3FB4] =	sst s0  }
0x18: {  	s0 =	sld [smem:$0x3F97];
	_ =	swait.ge [sflag:s4], $0x0  }
0x19: {  	s7 =	sld [smem:$0x3F98]  }
0x1a: {  	s8 =	sadd.s32 $0xFFFFE003, lr  }
0x1b: {  	s9 =	sadd.s32 $0xFFFFFEF7, lr;
	s5 =	simm.s32 $0xFFFFFFFF;
	p2 =	slt.u32 s8, $0xFFFFF086  }
0x1c: {  	p1 =	slt.u32 s9, $0xF7A;
	s5 =	simm.s32 @!p2 $0x0  }
0x1d: {  	s5 =	simm.s32 @p1 $0x1;
	p0 =	seq.s32 s7, s2  }
0x1e: {  	s7 =	smul.u32 @!p0 $0xF7A, s2;
	p2 =	seq.s32 @!p0 s5, $0x0  }
0x1f: {  	s9 =	smul.u32 $0xF7A, s1;
	s8 =	simm.s32 @!p0 $0x1BF5;
	p2 =	por !p2, p0  }
0x20: {  	[sflag:s8] =	ssyncset.s32 @!p0 $0xFFFFF086;
	s6 =	sadd.s32 @!p0 s3, s7;
	s7 =	simm.s32 @!p0 $0x108  }
0x21: {  	s3 =	sadd.s32 s3, s9;
	s6 =	sadd.s32 @!p0 $0x88, s6;
	s7 =	simm.s32 @p2 $0x1082  }
0x22: {  	[simem:s7], [sflag:s8] =	dma.local @!p0 [hbm:s6], $0xF7A  }
0x23: {  	s9 =	sor.u32 $0xD0000000, s2;
	s6 =	simm.s32 $0x108;
	_ =	swait.ge @!p0 [sflag:s8], $0x0  }
0x24: {  	s3 =	sadd.s32 $0x88, s3;
	s6 =	simm.s32 @!p1 $0x1082;
	[sflag:s4] =	ssyncset.s32 $0xFFFFF086  }
0x25: {  	[simem:s6], [sflag:s4] =	dma.local [hbm:s3], $0xF7A  }
0x26: {  	[smem:$0x3F98] =	sst s1;
	(tag) =	ssettag s2;
	_ =	strace s9  }
0x27: {  	s1 =	sld [smem:$0x3FA8]  }
0x28: {  	s2 =	sld [smem:$0x3FA9]  }
0x29: {  	s4 =	sld [smem:$0x3FAB]  }
0x2a: {  	p0 =	seq.s32 s5, $0x0;
	s5 =	sld [smem:$0x3FAC]  }
0x2b: {  	s6 =	sld [smem:$0x3FAD]  }
0x2c: {  	s7 =	sld [smem:$0x3FAE]  }
0x2d: {  	s3 =	simm.s32 $0x108;
	s8 =	sld [smem:$0x3FAF]  }
0x2e: {  	s3 =	simm.s32 @!p0 $0x1082;
	s9 =	sld [smem:$0x3FB0]  }
0x2f: {  	lr =	sadd.s32 s0, s3;
	s0 =	sld [smem:$0x3FA7]  }
0x30: {  	s3 =	sld [smem:$0x3FAA]  }
0x31: {  	[smem:$0x3FB3] =	sst s10  }
0x32: {  	s10 =	sld [smem:$0x3FB1];
	_ =	sdelay $0x3  }
0x33: {  	p0 =	seq.s32 s10, $0x1;
	s10 =	sld [smem:$0x3FB3];
	_ =	sdelay $0x3  }
0x34: {  	[smem:$0x3FB3] =	sst s10  }
0x35: {  	s10 =	sld [smem:$0x3FB2];
	_ =	sdelay $0x3  }
0x36: {  	p1 =	seq.s32 s10, $0x1;
	s10 =	sld [smem:$0x3FB3];
	_ =	sdelay $0x3  }
0x37: {  	[smem:$0x3FB3] =	sst s10  }
0x38: {  	s10 =	sld [smem:$0x3FB4]  }
0x39: {  	_ = 	snop;
	(pc) =	sbr.ind lr, $3  }
0x3a: {  	_ = 	snop  }
0x3b: {  	_ = 	snop  }
0x3c: {  	p2 =	seq.s32 s10, $0x1;
	s10 =	sld [smem:$0x3FB3]  }
0x3d: {  	_ =	shalt  }
0x3e: {  	_ =	shalt  }
0x3f: {  	_ =	shalt  }
0x40: {  	_ =	shalt  }
0x41: {  	_ =	shalt  }
0x42: {  	_ =	shalt  }
0x43: {  	_ =	shalt  }
0x44: {  	_ =	shalt  }
0x45: {  	_ =	shalt  }
0x46: {  	_ =	shalt  }
0x47: {  	_ =	shalt  }
0x48: {  	_ =	shalt  }
0x49: {  	_ =	shalt  }
0x4a: {  	_ =	shalt  }
0x4b: {  	_ =	shalt  }
0x4c: {  	_ =	shalt  }
0x4d: {  	_ =	shalt  }
0x4e: {  	_ =	shalt  }
0x4f: {  	_ =	shalt  }
0x50: {  	_ =	shalt  }
0x51: {  	_ =	shalt  }
0x52: {  	_ =	shalt  }
0x53: {  	_ =	shalt  }
0x54: {  	_ =	shalt  }
0x55: {  	_ =	shalt  }
0x56: {  	_ =	shalt  }
0x57: {  	_ =	shalt  }
0x58: {  	_ =	shalt  }
0x59: {  	_ =	shalt  }
0x5a: {  	_ =	shalt  }
0x5b: {  	_ =	shalt  }
0x5c: {  	_ =	shalt  }
0x5d: {  	_ =	shalt  }
0x5e: {  	_ =	shalt  }
0x5f: {  	_ =	shalt  }
0x60: {  	_ =	shalt  }
0x61: {  	_ =	shalt  }
0x62: {  	_ =	shalt  }
0x63: {  	_ =	shalt  }
0x64: {  	_ =	shalt  }
0x65: {  	_ =	shalt  }
0x66: {  	_ =	shalt  }
0x67: {  	_ =	shalt  }
0x68: {  	_ =	shalt  }
0x69: {  	_ =	shalt  }
0x6a: {  	_ =	shalt  }
0x6b: {  	_ =	shalt  }
0x6c: {  	_ =	shalt  }
0x6d: {  	_ =	shalt  }
0x6e: {  	_ =	shalt  }
0x6f: {  	_ =	shalt  }
0x70: {  	_ =	shalt  }
0x71: {  	_ =	shalt  }
0x72: {  	_ =	shalt  }
0x73: {  	_ =	shalt  }
0x74: {  	_ =	shalt  }
0x75: {  	_ =	shalt  }
0x76: {  	_ =	shalt  }
0x77: {  	_ =	shalt  }
0x78: {  	_ =	shalt  }
0x79: {  	_ =	shalt  }
0x7a: {  	_ =	shalt  }
0x7b: {  	_ =	shalt  }
0x7c: {  	_ =	shalt  }
0x7d: {  	_ =	shalt  }
0x7e: {  	_ =	shalt  }
0x7f: {  	_ =	shalt  }
0x80: {  	_ =	shalt  }
0x81: {  	_ =	shalt  }
0x82: {  	_ =	shalt  }
0x83: {  	_ =	shalt  }
0x84: {  	_ =	shalt  }
0x85: {  	_ =	shalt  }
0x86: {  	_ =	shalt  }
0x87: {  	_ =	shalt  }
.Lfunc_end0:
.L_simem_size_0:
called_computation_lowered:
.L_overlay_start_0:
0x88: {  	s2 =	sld [smem:$0x3FD9]  }
0x89: {  	s3 =	sld [smem:$0x3FFE];
	_ =	sdelay $0x1  }
0x8a: {  	s1 =	srdreg.scid  }
0x8b: {  	s0 =	sand.u32 $0x1, s1  }
0x8c: {  	s17 =	sshll.u32 s0, $0xA;
	s2 =	sadd.s32 s3, s2  }
0x8d: {  	s2 =	sadd.s32 s2, s17  }
0x8e: {  	[smem:$0x3FBF] =	sst s2  }
0x8f: {  	_ = 	snop  }
0x90: {  	s2 =	sld [smem:$0x3FC8]  }
0x91: {  	s18 =	sld [smem:$0x3FC7];
	(tm) =	ssettm $0x1  }
0x92: {  	s4 =	sld [smem:$0x3FFB];
	_ =	sdelay $0x3  }
0x93: {  	_ =	strace s4  }
0x94: {  	s4 =	sld [smem:$0x3FFC];
	_ =	sdelay $0x3  }
0x95: {  	_ =	strace s4  }
0x96: {  	s4 =	sld [smem:$0x3FFD];
	_ =	sdelay $0x3  }
0x97: {  	_ =	strace s4  }
0x98: {  	_ =	strace $0x8FFFFFFF  }
0x99: {  	s19 =	sld [smem:$0x3FDB];
	_ =	sdelay $0x1  }
0x9a: {  	s5 =	simm.s32 $_scs_section_size  }
0x9b: {  	s6 =	simm.s32 $_size__tile_overlayer_lowered;
	s7 =	simm.s32 $_tile_overlayer_lowered  }
0x9c: {  	s22 =	simm.s32 $0x1BFF;
	s21 =	sshll.u32 s7, $0x1;
	s4 =	sadd.s32 s5, s19  }
0x9d: {  	s8 =	simm.s32 $0x0;
	s20 =	sshll.u32 s6, $0x1;
	s6 =	sadd.s32 s21, s4  }
0x9e: {  	[timem:s8], [sflag:s22] =	dma.local [hbm:s6], s20  }
0x9f: {  	_ =	swait.ge [sflag:s22], s20  }
0xa0: {  	s5 =	ssub.s32 $0x0, s20;
	[sflag:s22] =	ssyncset.done $0x0  }
0xa1: {  	[sflag:s22] =	ssyncadd.s32 s5;
	_ =	sdelay $0x1  }
0xa2: {  	s23 =	simm.s32 $0x1B8B  }
0xa3: {  	_ =	swait.ge [sflag:s23], $0x1  }
0xa4: {  	[sflag:s23] =	ssyncset.done $0x0  }
0xa5: {  	s25 =	simm.s32 $0x1B8E;
	s24 =	sld [smem:$0x3FFE];
	[sflag:s23] =	ssyncadd.s32 $0xFFFFFFFF  }
0xa6: {  	s26 =	simm.s32 $execute0_lowered;
	[smem:$0x3FD2] =	sst s25  }
0xa7: {  	s6 =	sshll.u32 s26, $0x1;
	_ =	strace $0x80000046;
	[dreg:$0x1] =	wrdreg $0xFFFFFFFF  }
0xa8: {  	s28 =	simm.s32 $_size_execute0_lowered;
	s4 =	sadd.s32 s4, s6;
	[dreg:$0x0] =	wrdreg $0x0  }
0xa9: {  	s6 =	sshll.u32 s28, $0x1;
	[dreg:$0x2] =	wrdreg s4  }
0xaa: {  	[dreg:$0x3] =	wrdreg s6  }
0xab: {  	[dreg:$0x4] =	wrdreg $0xC0  }
0xac: {  	_ =	task [dreg:s8], $0x5FFFF  }
0xad: {  	[dreg:$0x1] =	wrdreg $0xFFFFFFFF  }
0xae: {  	[dreg:$0x0] =	wrdreg $0x60  }
0xaf: {  	[dreg:$0x2] =	wrdreg s24  }
0xb0: {  	[dreg:$0x3] =	wrdreg s2  }
0xb1: {  	[dreg:$0x4] =	wrdreg s18  }
0xb2: {  	[dreg:$0x5] =	wrdreg $0x9  }
0xb3: {  	_ =	task.clear_ibuf [dreg:s8], $0x6FFFF;
	_ =	strace $0x90000046  }
0xb4: {  	s29 =	simm.s32 $0x9;
	_ =	strace $0x80000048  }
0xb5: {  	_ =	swait.ge [sflag:s29], $0x1  }
0xb6: {  	[sflag:s29] =	ssyncadd.s32 $0xFFFFFFFF  }
0xb7: {  	_ =	strace $0x90000048  }
0xb8: {  	_ =	sfence  }
0xb9: {  	s30 =	sld [smem:$0x0];
	_ =	sdelay $0x2  }
0xba: {  	s31 =	sshll.u32 s1, $0xD;
	s1 =	sshrl.u32 s1, $0x2  }
0xbb: {  	s3 =	sand.u32 $0x4000, s31;
	s1 =	sadd.s32 s1, s30  }
0xbc: {  	s0 =	sor.u32 s3, s0;
	s1 =	sshll.u32 s1, $0x11  }
0xbd: {  	s0 =	sor.u32 s1, s0  }
0xbe: {  	s0 =	sadd.s32 $0x8F2B, s0  }
0xbf: {  	[sflag:s0] =	ssyncadd.remote.s32 $0x1  }
0xc0: {  	_ =	sfence.sel $0xFFFF  }
0xc1: {  	[dreg:$0x0] =	wrdreg $0xFFFFFFFF;
	(pc) =	sbr.abs _section_cstart, $3  }
0xc2: {  	[dreg:$0x1] =	wrdreg $0xFFFFFFFF  }
0xc3: {  	_ =	task.clear_ibuf [dreg:s8], $0x2FFFF;
	_ =	strace $0x9FFFFFFF  }
0xc4: {  	(tm) =	ssettm $0x7FFFFFFF  }
0xc5: {  	_ =	shalt  }
tec
execute0_lowered:
.L_overlay_start_1:
0x0: {  	(tag) =	ssettag $0x1  }
0x1: {  	s5 =	rddreg [dreg:$0x0]  }
0x2: {  	s6 =	rddreg [dreg:$0x1];
	s1 =	srdreg.scid  }
0x3: {  	s0 =	stileid.u32;
	s7 =	rddreg [dreg:$0x2];
	s2 =	simm.s32 $0x0  }
0x4: {  	s15 =	simm.s32 $0xC800;
	s16 =	simm.s32 $0x1;
	s17 =	simm.s32 $0x11780  }
0x5: {  	s18 =	simm.s32 $0xEF80;
	s19 =	simm.s32 $0x2;
	s11 =	smul.u32 $0x4E20, s0  }
0x6: {  	s20 =	simm.s32 $0x0;
	s8 =	sand.u32 $0x1, s1;
	s30 =	smul.u32 $0x9C40, s0  }
0x7: {  	s3 =	sshll.u32 s0, $0x1;
	[smem:$0x7FF] =	sst s2;
	s14 =	smul.u32 $0x2710, s8  }
0x8: {  	s4 =	sor.u32 s8, s3;
	_ =	strace $0x80000047;
	s29 =	smul.u32 $0x4E20, s8  }
0x9: {  	s3 =	sadd.s32 $0x1400, s5;
	s25 =	ssub.s32 $0x2, s8;
	s9 =	smul.u32 $0x5000, s4  }
0xa: {  	s10 =	smul.u32 $0x2710, s4;
	s12 =	sshrl.u32 s25, $0x1;
	s4 =	sadd.s32 $0x1900, s5  }
0xb: {  	s12 =	ssub.s32 s25, s12;
	s11 =	sadd.s32 s14, s11;
	[dreg:$0x5] =	wrdreg s29  }
0xc: {  	s14 =	simm.s32 $0x7800;
	s9 =	sshrl.u32 s9, $0x3;
	s13 =	sand.u32 $0x7FF80, s10  }
0xd: {  	s10 =	sshrl.u32 s10, $0x3;
	s26 =	sand.u32 $0xFFF80, s11;
	s9 =	sadd.s32 s9, s5  }
0xe: {  	s13 =	smin.u32 s13, $0x4BA00;
	s5 =	sadd.s32 $0x1E00, s5;
	s7 =	sadd.s32 s7, s10  }
0xf: {  	s28 =	smin.u32 s26, $0x4BA00;
	s10 =	smax.u32 s12, $0x1;
	s12 =	simm.s32 $0x2800  }
0x10: {  	s13 =	sshrl.u32 s13, $0x2;
	s8 =	sadd.s32 $0x2400, s9;
	s11 =	ssub.s32 s11, s28  }
0x11: {  	s9 =	sadd.s32 $0x2900, s9;
	s31 =	sshll.u32 s28, $0x1;
	s6 =	sadd.s32 s6, s13  }
0x12: {  	v0 =	vimm.f32 $0.0e+00;
	[dreg:$0x4] =	wrdreg s11;
	s11 =	ssub.s32 s30, s31;
	s13 =	simm.s32 $0x5000  }
.LBB2_1:
0x13: {  	[tilespmem:s2], [sflag:$0x1] =	stream.linear.gather [hbm4b:s3+s2], $0x2800, $0x38;
	[tilespmem:$0x13F80] =	vst v63  }
0x14: {  	_ = 	snop  }
0x15: {  	[tilespmem:s12], [sflag:$0x1] =	stream.linear.gather [hbm4b:s4+s2], $0x2800, $0x38;
	[tilespmem:$0x13F80] =	vst v63  }
0x16: {  	_ = 	snop  }
0x17: {  	[tilespmem:s13], [sflag:$0x1] =	stream.linear.gather [hbm4b:s5+s2], $0x2800, $0x38;
	[tilespmem:$0x13F80] =	vst v63  }
0x18: {  	_ = 	snop  }
0x19: {  	[tilespmem:s14], [sflag:$0x1] =	stream.linear.gather [hbm4b:s6+s2], $0x5000, $0x38;
	[tilespmem:$0x13F80] =	vst v63  }
0x1a: {  	s21 =	simm.s32 $0xEFC0  }
0x1b: {  	[tilespmem:s15], [sflag:$0x1] =	stream.linear.gather [hbm4b:s7+s2], $0x2710, $0x38;
	[tilespmem:$0x13F80] =	vst v63  }
0x1c: {  	[tilespmem:s21+$0x30] =	vst v0  }
0x1d: {  	[tilespmem:s21+$0xFFFFFFF0] =	vst v0  }
0x1e: {  	[tilespmem:s21+$0xFFFFFFC0] =	vst v0  }
0x1f: {  	[tilespmem:s21+$0xFFFFFFE0] =	vst v0  }
0x20: {  	[tilespmem:s21+$0x10] =	vst v0  }
0x21: {  	[tilespmem:s21+$0x20] =	vst v0  }
0x22: {  	[tilespmem:s21+$0x0] =	vst v0  }
0x23: {  	s22 =	simm.s32 $0x117C0;
	[tilespmem:s21+$0xFFFFFFD0] =	vst v0  }
0x24: {  	[tilespmem:s22+$0xFFFFFFC0] =	vst v0  }
0x25: {  	[tilespmem:s22+$0x30] =	vst v0  }
0x26: {  	[tilespmem:s22+$0x20] =	vst v0  }
0x27: {  	[tilespmem:s22+$0x10] =	vst v0  }
0x28: {  	[tilespmem:s22+$0xFFFFFFE0] =	vst v0  }
0x29: {  	[tilespmem:s22+$0x0] =	vst v0  }
0x2a: {  	s23 =	simm.s32 $0x0;
	[tilespmem:s22+$0xFFFFFFF0] =	vst v0  }
.LBB2_2:
0x2b: {  	s23 =	sadd.s32 $0x80, s23;
	[tilespmem:s22+$0xFFFFFFD0] =	vst v0;
	s21 =	sadd.s32 $0x80, s21;
	s22 =	sadd.s32 $0x80, s22  }
0x2c: {  	[tilespmem:s21+$0x30] =	vst v0;
	p0 =	slt.u32 s23, $0x2780  }
0x2d: {  	[tilespmem:s21+$0xFFFFFFF0] =	vst v0  }
0x2e: {  	[tilespmem:s21+$0xFFFFFFC0] =	vst v0  }
0x2f: {  	[tilespmem:s22+$0xFFFFFFC0] =	vst v0  }
0x30: {  	[tilespmem:s22+$0x30] =	vst v0  }
0x31: {  	[tilespmem:s21+$0xFFFFFFE0] =	vst v0  }
0x32: {  	[tilespmem:s21+$0x10] =	vst v0  }
0x33: {  	[tilespmem:s21+$0x20] =	vst v0  }
0x34: {  	[tilespmem:s22+$0x20] =	vst v0  }
0x35: {  	[tilespmem:s22+$0x10] =	vst v0  }
.Ltmp0:
0x36: {  	[tilespmem:s22+$0xFFFFFFE0] =	vst v0;
	(pc) =	sbr.rel @p0 .LBB2_2-.Ltmp0, $4  }
0x37: {  	[tilespmem:s21+$0x0] =	vst v0  }
0x38: {  	[tilespmem:s22+$0x0] =	vst v0  }
0x39: {  	[tilespmem:s22+$0xFFFFFFF0] =	vst v0  }
0x3a: {  	[tilespmem:s21+$0xFFFFFFD0] =	vst v0  }
0x3b: {  	[tilespmem:s22+$0xFFFFFFD0] =	vst v0  }
0x3c: {  	_ =	swait.ge [sflag:s16], $0x2800  }
0x3d: {  	[sflag:s16] =	ssyncset.done $0x0  }
0x3e: {  	[sflag:s16] =	ssyncadd.s32 $0xFFFFD800  }
0x3f: {  	_ =	swait.ge [sflag:s16], $0x2800  }
0x40: {  	[sflag:s16] =	ssyncset.done $0x0  }
0x41: {  	[sflag:s16] =	ssyncadd.s32 $0xFFFFD800  }
0x42: {  	_ =	swait.ge [sflag:s16], $0x2800  }
0x43: {  	[sflag:s16] =	ssyncset.done $0x0  }
0x44: {  	[sflag:s16] =	ssyncadd.s32 $0xFFFFD800  }
0x45: {  	_ =	swait.ge [sflag:s16], $0x5000  }
0x46: {  	[sflag:s16] =	ssyncset.done $0x0  }
0x47: {  	[sflag:s16] =	ssyncadd.s32 $0xFFFFB000  }
0x48: {  	_ =	swait.ge [sflag:s16], $0x2710  }
0x49: {  	s21 =	rddreg [dreg:$0x5]  }
0x4a: {  	s0 =	rddreg [dreg:$0x4]  }
0x4b: {  	s21 =	sadd.s32 s11, s21;
	s22 =	sadd.s32 $0xFFFFFFB0, s0  }
0x4c: {  	[sflag:s16] =	ssyncset.done $0x0;
	s23 =	sadd.s32 $0x20, s21;
	s24 =	sadd.s32 $0x60, s22  }
0x4d: {  	[sflag:s16] =	ssyncadd.s32 $0xFFFFD8F0;
	s24 =	sand.u32 $0x70, s24;
	s23 =	sand.u32 $0xFFFFFF00, s23  }
0x4e: {  	s25 =	sadd.s32 $0x70, s22;
	s1 =	sadd.s32 $0x40, s21;
	s23 =	sor.u32 s24, s23  }
0x4f: {  	s25 =	sand.u32 $0x70, s25;
	s24 =	sand.u32 $0xFFFFFF00, s1;
	v11 =	vld [tilespmem:s23+$0x7800]  }
0x50: {  	s26 =	sadd.s32 $0x80, s22;
	s28 =	sadd.s32 $0x60, s21;
	v4 =	vld [tilespmem:s23+$0x7880];
	s24 =	sor.u32 s25, s24  }
0x51: {  	s25 =	sand.u32 $0x70, s26;
	s26 =	sand.u32 $0xFFFFFF00, s28;
	v10 =	vld [tilespmem:s24+$0x7800]  }
0x52: {  	v2 =	vld [tilespmem:s24+$0x7880];
	s29 =	sor.u32 s25, s26  }
0x53: {  	s28 =	sadd.s32 $0x50, s22;
	v9 =	vld [tilespmem:s29+$0x7800]  }
0x54: {  	s30 =	sand.u32 $0xFFFFFF00, s21;
	s31 =	sand.u32 $0x70, s28;
	v1 =	vld [tilespmem:s29+$0x7880]  }
0x55: {  	s24 =	sor.u32 s31, s30  }
0x56: {  	v6 =	vld [tilespmem:s24+$0x7800]  }
0x57: {  	v5 =	vld.idx.msk [tilespmem:v11+s2+$0x0], $0xffff  }
0x58: {  	v7 =	vld.idx.msk [tilespmem:v4+s12+$0x0], $0xffff  }
0x59: {  	v8 =	vld.idx.msk [tilespmem:v10+s2+$0x0], $0xffff  }
0x5a: {  	v13 =	vld.idx.msk [tilespmem:v2+s12+$0x0], $0xffff  }
0x5b: {  	s21 =	sadd.s32 $0x80, s21;
	s22 =	sadd.s32 $0x90, s22;
	v14 =	vld.idx.msk [tilespmem:v9+s2+$0x0], $0xffff  }
0x5c: {  	s21 =	sand.u32 $0xFFFFFF00, s21;
	s22 =	sand.u32 $0x70, s22;
	v16 =	vld.idx.msk [tilespmem:v1+s12+$0x0], $0xffff  }
0x5d: {  	s22 =	sor.u32 s22, s21;
	v3 =	vld [tilespmem:s24+$0x7880]  }
0x5e: {  	v15 =	vld [tilespmem:s22+$0x7800]  }
0x5f: {  	s21 =	simm.s32 $0xC820;
	v12 =	vld.idx.msk [tilespmem:v6+s2+$0x0], $0xffff;
	v17 =	vadd.f32 v7, v5  }
0x60: {  	v5 =	vld [tilespmem:s21+$0x20];
	v18 =	vadd.f32 v13, v8  }
0x61: {  	v7 =	vld.idx.msk [tilespmem:v6+s13+$0x0], $0xffff;
	v13 =	vmul.f32 $2.000000030e-01, v17;
	v16 =	vadd.f32 v16, v14  }
0x62: {  	v8 =	vld [tilespmem:s21+$0xFFFFFFE0];
	vm0 =	vge.f32 v17, $0.0e+00;
	v14 =	vmul.f32 $2.000000030e-01, v18  }
0x63: {  	vm14 =	vge.f32 v18, $0.0e+00;
	v6 =	vsel vm0, v17, v13;
	v17 =	vmul.f32 $2.000000030e-01, v16;
	v13 =	vld [tilespmem:s21+$0x0]  }
0x64: {  	vm15 =	vge.f32 v16, $0.0e+00;
	v19 =	vmul.f32 $1.442695020e+00, v6;
	v6 =	vsel vm14, v18, v14;
	v14 =	vld [tilespmem:s21+$0x10]  }
0x65: {  	v16 =	vsel vm15, v16, v17;
	v18 =	vmul.f32 $1.442695020e+00, v6;
	v6 =	vld [tilespmem:s22+$0x7880]  }
0x66: {  	v17 =	vld [tilespmem:s21+$0xFFFFFFF0];
	(erf) = vpow2.f32 v19;
	v19 =	vmul.f32 $1.442695020e+00, v16  }
0x67: {  	v16 =	vld.idx.msk [tilespmem:v11+s13+$0x0], $0xffff;
	(erf) = vpow2.f32 v18  }
0x68: {  	s23 =	smov.u32 s11;
	s22 =	simm.s32 $0x0;
	v11 =	vld.idx.msk [tilespmem:v15+s13+$0x0], $0xffff;
	(erf) = vpow2.f32 v19  }
.LBB2_4:
0x69: {  	_ =	sdelay $0x3  }
0x6a: {  	v18 =	vld.idx.msk [tilespmem:v3+s12+$0x0], $0xffff;
	s25 =	smov.u32 s22;
	s26 =	rddreg [dreg:$0x4]  }
0x6b: {  	s24 =	rddreg [dreg:$0x5];
	s23 =	sadd.s32 $0xA0, s23;
	s25 =	sadd.s32 s25, s26  }
0x6c: {  	s24 =	sadd.s32 s23, s24;
	s29 =	sadd.s32 $0x50, s25  }
0x6d: {  	v15 =	vld.idx.msk [tilespmem:v15+s2+$0x0], $0xffff;
	s26 =	sand.u32 $0xFFFFFF00, s24;
	s29 =	sand.u32 $0x70, s29  }
0x6e: {  	v9 =	vld.idx.msk [tilespmem:v9+s13+$0x0], $0xffff;
	s26 =	sor.u32 s29, s26  }
0x6f: {  	s28 =	sadd.s32 $0x20, s24;
	s30 =	sadd.s32 $0x60, s25;
	s31 =	sadd.s32 $0x80, s25;
	v19 =	vpop (erf);
	v12 =	vadd.f32 v18, v12;
	v18 =	vld [tilespmem:s26+$0x7800]  }
0x70: {  	s1 =	sadd.s32 $0x90, s25;
	s30 =	sand.u32 $0x70, s30;
	s28 =	sand.u32 $0xFFFFFF00, s28;
	[tilespmem:v4+s17+$0x0] =	vst.idx.add.f32.msk $0xffff, v19  }
0x71: {  	s25 =	sadd.s32 $0x70, s25;
	s28 =	sor.u32 s30, s28;
	s30 =	sadd.s32 $0x40, s24;
	v17 =	vmul.f32 v19, v17;
	v19 =	vld.idx.msk [tilespmem:v10+s13+$0x0], $0xffff;
	v10 =	vpop (erf)  }
0x72: {  	s25 =	sand.u32 $0x70, s25;
	s29 =	sand.u32 $0xFFFFFF00, s30;
	[tilespmem:v2+s17+$0x0] =	vst.idx.add.f32.msk $0xffff, v10  }
0x73: {  	s25 =	sor.u32 s25, s29;
	v16 =	vmul.f32 v17, v16;
	v17 =	vld.idx.msk [tilespmem:v6+s12+$0x0], $0xffff  }
0x74: {  	v13 =	vmul.f32 v10, v13;
	v10 =	vld [tilespmem:s25+$0x7800]  }
0x75: {  	[tilespmem:v4+s18+$0x0] =	vst.idx.add.f32.msk $0xffff, v16;
	v4 =	vpop (erf);
	v16 =	vmul.f32 $2.000000030e-01, v12  }
0x76: {  	vm0 =	vge.f32 v12, $0.0e+00;
	[tilespmem:v1+s17+$0x0] =	vst.idx.add.f32.msk $0xffff, v4  }
0x77: {  	v14 =	vmul.f32 v4, v14;
	v20 =	vld [tilespmem:s28+$0x7800];
	v12 =	vsel vm0, v12, v16  }
0x78: {  	s0 =	sadd.s32 $0x60, s24;
	v4 =	vld [tilespmem:s28+$0x7880];
	v13 =	vmul.f32 v13, v19;
	v15 =	vadd.f32 v17, v15;
	v12 =	vmul.f32 $1.442695020e+00, v12  }
0x79: {  	s31 =	sand.u32 $0x70, s31;
	s0 =	sand.u32 $0xFFFFFF00, s0;
	v17 =	vld [tilespmem:s25+$0x7880]  }
0x7a: {  	s0 =	sor.u32 s31, s0;
	[tilespmem:v2+s18+$0x0] =	vst.idx.add.f32.msk $0xffff, v13;
	v16 =	vmul.f32 $2.000000030e-01, v15;
	(erf) = vpow2.f32 v12  }
0x7b: {  	v14 =	vmul.f32 v14, v9;
	v9 =	vld [tilespmem:s0+$0x7800];
	vm12 =	vge.f32 v15, $0.0e+00  }
0x7c: {  	v13 =	vld [tilespmem:s0+$0x7880];
	v2 =	vsel vm12, v15, v16  }
0x7d: {  	v21 =	vld [tilespmem:s26+$0x7880];
	v16 =	vmul.f32 $1.442695020e+00, v2  }
0x7e: {  	v12 =	vld.idx.msk [tilespmem:v18+s2+$0x0], $0xffff  }
0x7f: {  	v15 =	vld.idx.msk [tilespmem:v20+s2+$0x0], $0xffff;
	(erf) = vpow2.f32 v16  }
0x80: {  	v16 =	vld.idx.msk [tilespmem:v4+s12+$0x0], $0xffff  }
0x81: {  	v19 =	vld.idx.msk [tilespmem:v10+s2+$0x0], $0xffff  }
0x82: {  	v2 =	vmov v17;
	v17 =	vld.idx.msk [tilespmem:v17+s12+$0x0], $0xffff  }
0x83: {  	s24 =	sadd.s32 $0x80, s24;
	v22 =	vld.idx.msk [tilespmem:v9+s2+$0x0], $0xffff;
	v24 =	vpop (erf)  }
0x84: {  	s1 =	sand.u32 $0x70, s1;
	s31 =	sand.u32 $0xFFFFFF00, s24;
	v23 =	vld.idx.msk [tilespmem:v13+s12+$0x0], $0xffff;
	v8 =	vmul.f32 v24, v8  }
0x85: {  	s0 =	sor.u32 s1, s31;
	[tilespmem:v1+s18+$0x0] =	vst.idx.add.f32.msk $0xffff, v14;
	v16 =	vadd.f32 v16, v15  }
0x86: {  	v15 =	vld [tilespmem:s0+$0x7800];
	v7 =	vmul.f32 v8, v7  }
0x87: {  	[tilespmem:v3+s17+$0x0] =	vst.idx.add.f32.msk $0xffff, v24;
	v17 =	vadd.f32 v17, v19;
	v25 =	vmul.f32 $2.000000030e-01, v16  }
0x88: {  	vm13 =	vge.f32 v16, $0.0e+00;
	v63 =	vpop (erf);
	[tilespmem:v3+s18+$0x0] =	vst.idx.add.f32.msk $0xffff, v7  }
0x89: {  	s21 =	sadd.s32 $0x50, s21;
	v1 =	vmov v13;
	v13 =	vmul.f32 $2.000000030e-01, v17;
	v8 =	vsel vm13, v16, v25;
	[tilespmem:v6+s17+$0x0] =	vst.idx.add.f32.msk $0xffff, v63  }
0x8a: {  	v19 =	vmul.f32 v63, v5;
	v14 =	vmul.f32 $1.442695020e+00, v8;
	v8 =	vld [tilespmem:s21+$0xFFFFFFE0]  }
0x8b: {  	vm14 =	vge.f32 v17, $0.0e+00;
	v5 =	vld [tilespmem:s21+$0x20]  }
0x8c: {  	v16 =	vadd.f32 v23, v22;
	v7 =	vmul.f32 v19, v11;
	v11 =	vsel vm14, v17, v13;
	v13 =	vld [tilespmem:s21+$0x0]  }
0x8d: {  	s22 =	sadd.s32 $0x50, s22;
	(erf) = vpow2.f32 v14;
	v14 =	vld [tilespmem:s21+$0x10]  }
0x8e: {  	p0 =	slt.u32 s22, $0x26C0;
	[tilespmem:v6+s18+$0x0] =	vst.idx.add.f32.msk $0xffff, v7;
	v6 =	vmul.f32 $2.000000030e-01, v16  }
.Ltmp1:
0x8f: {  	vm15 =	vge.f32 v16, $0.0e+00;
	v17 =	vld [tilespmem:s21+$0xFFFFFFF0];
	v11 =	vmul.f32 $1.442695020e+00, v11;
	(pc) =	sbr.rel @p0 .LBB2_4-.Ltmp1, $4  }
0x90: {  	v7 =	vld.idx.msk [tilespmem:v18+s13+$0x0], $0xffff;
	v6 =	vsel vm15, v16, v6  }
0x91: {  	(erf) = vpow2.f32 v11;
	v16 =	vld.idx.msk [tilespmem:v20+s13+$0x0], $0xffff;
	v11 =	vmul.f32 $1.442695020e+00, v6  }
0x92: {  	v6 =	vld [tilespmem:s0+$0x7880]  }
0x93: {  	v3 =	vmov v21;
	(erf) = vpow2.f32 v11;
	v11 =	vld.idx.msk [tilespmem:v15+s13+$0x0], $0xffff  }
0x94: {  	_ =	sdelay $0x4  }
0x95: {  	v18 =	vld.idx.msk [tilespmem:v3+s12+$0x0], $0xffff  }
0x96: {  	v15 =	vld.idx.msk [tilespmem:v15+s2+$0x0], $0xffff  }
0x97: {  	v19 =	vld.idx.msk [tilespmem:v6+s12+$0x0], $0xffff;
	_ =	sdelay $0x3  }
0x98: {  	v12 =	vadd.f32 v18, v12  }
0x99: {  	v15 =	vadd.f32 v19, v15  }
0x9a: {  	v18 =	vmul.f32 $2.000000030e-01, v12  }
0x9b: {  	vm0 =	vge.f32 v12, $0.0e+00;
	v19 =	vmul.f32 $2.000000030e-01, v15  }
0x9c: {  	v12 =	vsel vm0, v12, v18;
	vm15 =	vge.f32 v15, $0.0e+00  }
0x9d: {  	v12 =	vmul.f32 $1.442695020e+00, v12;
	v15 =	vsel vm15, v15, v19  }
0x9e: {  	v15 =	vmul.f32 $1.442695020e+00, v15  }
0x9f: {  	(erf) = vpow2.f32 v12  }
0xa0: {  	(erf) = vpow2.f32 v15  }
0xa1: {  	v57 =	vpop (erf)  }
0xa2: {  	v10 =	vld.idx.msk [tilespmem:v10+s13+$0x0], $0xffff;
	v58 =	vmul.f32 v57, v17  }
0xa3: {  	v9 =	vld.idx.msk [tilespmem:v9+s13+$0x0], $0xffff  }
0xa4: {  	v60 =	vmul.f32 v58, v16;
	v59 =	vpop (erf)  }
0xa5: {  	[tilespmem:v4+s17+$0x0] =	vst.idx.add.f32.msk $0xffff, v57;
	v13 =	vmul.f32 v59, v13;
	v61 =	vpop (erf)  }
0xa6: {  	[tilespmem:v4+s18+$0x0] =	vst.idx.add.f32.msk $0xffff, v60;
	v4 =	vmul.f32 v61, v14  }
0xa7: {  	[tilespmem:v2+s17+$0x0] =	vst.idx.add.f32.msk $0xffff, v59;
	v10 =	vmul.f32 v13, v10  }
0xa8: {  	[tilespmem:v1+s17+$0x0] =	vst.idx.add.f32.msk $0xffff, v61;
	v4 =	vmul.f32 v4, v9;
	v62 =	vpop (erf)  }
0xa9: {  	[tilespmem:v2+s18+$0x0] =	vst.idx.add.f32.msk $0xffff, v10;
	v2 =	vmul.f32 v62, v8;
	v63 =	vpop (erf)  }
0xaa: {  	[tilespmem:v1+s18+$0x0] =	vst.idx.add.f32.msk $0xffff, v4;
	v5 =	vmul.f32 v63, v5  }
0xab: {  	[tilespmem:v3+s17+$0x0] =	vst.idx.add.f32.msk $0xffff, v62;
	v2 =	vmul.f32 v2, v7  }
0xac: {  	[tilespmem:v6+s17+$0x0] =	vst.idx.add.f32.msk $0xffff, v63;
	v1 =	vmul.f32 v5, v11  }
0xad: {  	[tilespmem:v3+s18+$0x0] =	vst.idx.add.f32.msk $0xffff, v2  }
0xae: {  	[tilespmem:v6+s18+$0x0] =	vst.idx.add.f32.msk $0xffff, v1  }
0xaf: {  	[hbm4b:s8+s2] =	stream.linear.scatter [tilespmem:s18], [sflag:$0x2], $0x2800, $0x38;
	[tilespmem:$0x13F80] =	vst v63  }
0xb0: {  	s20 =	sadd.s32 $0x1, s20;
	_ =	swait.ge [sflag:s19], $0x2800  }
0xb1: {  	p0 =	sne.s32 s20, s10;
	[sflag:s19] =	ssyncset.done $0x0  }
.Ltmp2:
0xb2: {  	[sflag:s19] =	ssyncadd.s32 $0xFFFFD800;
	(pc) =	sbr.rel @p0 .LBB2_1-.Ltmp2, $4  }
0xb3: {  	[hbm4b:s9+s2] =	stream.linear.scatter [tilespmem:s17], [sflag:$0x2], $0x2800, $0x38;
	[tilespmem:$0x13F80] =	vst v63  }
0xb4: {  	_ =	swait.ge [sflag:s19], $0x2800  }
0xb5: {  	[sflag:s19] =	ssyncset.done $0x0  }
0xb6: {  	[sflag:s19] =	ssyncadd.s32 $0xFFFFD800  }
0xb7: {  	_ =	sfence.sel $0x180000  }
0xb8: {  	[bflag:$0x0] =	sbarrier.arrive $0xFFFF  }
0xb9: {  	_ =	strace $0x90000047  }
0xba: {  	s0 =	stileid.u32;
	[bflag:$0x2] =	sbarrier.arrive $0xFFFF  }
0xbb: {  	p0 =	sne.s32 s0, $0x0;
	s0 =	rddreg [dreg:$0x3]  }
0xbc: {  	s0 =	sadd.s32 @!p0 $0x100000, s0  }
0xbd: {  	[sflag:s0] =	ssyncadd.tile.s32 @!p0 $0x1;
	_ =	shalt  }
.Lfunc_end2:
_tile_overlayer_lowered:
.L_overlay_start_2:
0xbe: {  	(tag) =	ssettag $0x2  }
0xbf: {  	s0 =	rddreg [dreg:$0x0];
	s2 =	stileid.u32  }
0xc0: {  	s1 =	rddreg [dreg:$0x1];
	p0 =	sne.s32 s2, $0x0  }
0xc1: {  	s3 =	rddreg [dreg:$0x2];
	[bflag:$0x3] =	sbarrier.arrive $0xFFFF;
	s2 =	simm.s32 @!p0 $0x1C02  }
0xc2: {  	[timem:s3], [sflag:s2] =	dma.local @!p0 [hbm:s0], s1  }
0xc3: {  	s0 =	simm.s32 @!p0 $0x2  }
0xc4: {  	_ =	swait.ge @!p0 [sflag:s0], s1  }
0xc5: {  	s1 =	ssub.s32 @!p0 $0x0, s1;
	[sflag:s0] =	ssyncset.done @!p0 $0x0  }
0xc6: {  	[sflag:s0] =	ssyncadd.s32 @!p0 s1  }
0xc7: {  	[bflag:$0x3] =	sbarrier.arrive $0xFFFF  }
0xc8: {  	_ =	shalt  }

</sc_bundles>
